<compile_context>
chip_gen: v7x
topology: tpu7x:2x2x1
jax: 0.10.2.dev20260603
libtpu: 0.0.44.dev20260713+nightly
codegen_flags: <defaults>
</compile_context>

<pallas_src>
import jax
import jax.numpy as jnp
from jax import lax
from jax.experimental import pallas as pl
from jax.experimental.pallas import tpu as pltpu
from jax.experimental.pallas import tpu_sc as plsc

B = 200000
D_F = 128
D_E = 64
D_OUT = D_F + D_E
D_P = 128

NC = 2
NS = 16
NW = NC * NS

BLK = 128
N_FULL = B // BLK
TAIL = B - N_FULL * BLK
BPW = (N_FULL + NW - 1) // NW

ROWS_TC = 2000
N_TC = B // ROWS_TC


def _gather_kernel(ids_hbm, table_hbm, stage_hbm,
                   idx_v, rows_v, idx_t, rows_t, sem):
    wid = lax.axis_index("s") * NC + lax.axis_index("c")

    def body(i, carry):
        blk = wid * BPW + i

        @pl.when(blk < N_FULL)
        def _():
            base = blk * BLK
            pltpu.sync_copy(ids_hbm.at[pl.ds(base, BLK)], idx_v)
            pltpu.async_copy(table_hbm.at[idx_v], rows_v, sem).wait()
            pltpu.sync_copy(rows_v, stage_hbm.at[pl.ds(base, BLK)])
        return carry

    lax.fori_loop(0, BPW, body, 0)

    @pl.when(wid == NW - 1)
    def _():
        base = N_FULL * BLK
        pltpu.sync_copy(ids_hbm.at[pl.ds(base, TAIL)], idx_t)
        pltpu.async_copy(table_hbm.at[idx_t], rows_t, sem).wait()
        pltpu.sync_copy(rows_t, stage_hbm.at[pl.ds(base, TAIL)])


def _feats_kernel(feats_ref, out_ref):
    out_ref[...] = feats_ref[...]


def _emb_kernel(stage_ref, base_ref, out_ref):
    del base_ref
    out_ref[:, 0:D_E] = stage_ref[:, 0:D_E]


@jax.jit
def _node_prep(gather_ids, feats, emb_W):
    table = jnp.pad(emb_W, ((0, 0), (0, D_P - D_E)))

    mesh = plsc.VectorSubcoreMesh(core_axis_name="c", subcore_axis_name="s")
    gather = pl.kernel(
        _gather_kernel,
        out_type=jax.ShapeDtypeStruct((B, D_P), jnp.float32),
        mesh=mesh,
        scratch_types=[
            pltpu.VMEM((BLK,), jnp.int32),
            pltpu.VMEM((BLK, D_P), jnp.float32),
            pltpu.VMEM((TAIL,), jnp.int32),
            pltpu.VMEM((TAIL, D_P), jnp.float32),
            pltpu.SemaphoreType.DMA,
        ],
    )
    stage = gather(gather_ids, table)

    base = pl.pallas_call(
        _feats_kernel,
        grid=(N_TC,),
        in_specs=[pl.BlockSpec((ROWS_TC, D_F), lambda i: (i, 0))],
        out_specs=pl.BlockSpec((ROWS_TC, D_F), lambda i: (i, 0)),
        out_shape=jax.ShapeDtypeStruct((B, D_OUT), jnp.float32),
    )(feats)

    out = pl.pallas_call(
        _emb_kernel,
        grid=(N_TC,),
        in_specs=[
            pl.BlockSpec((ROWS_TC, D_P), lambda i: (i, 0)),
            pl.BlockSpec(memory_space=pl.ANY),
        ],
        out_specs=pl.BlockSpec((ROWS_TC, D_F), lambda i: (i, 1)),
        out_shape=jax.ShapeDtypeStruct((B, D_OUT), jnp.float32),
        input_output_aliases={1: 0},
    )(stage, base)
    return out


def kernel(ids, feats, hop_idx, emb_W):
    n_nodes = emb_W.shape[0] - 1
    ids = ids.astype(jnp.int32)
    gather_ids = jnp.where(hop_idx > 0, ids, jnp.full_like(ids, n_nodes))
    return _node_prep(gather_ids, feats, emb_W)

# --- scband reference (transcript-rebuilt; emitter-appended) ---
"""Pipeline reference for scband-node-embedding-prep-28003186770118 (READ-ONLY COPY).

The authoritative reference and input builder live on the scoring server;
editing this copy changes nothing except your own understanding.
"""

import jax, jax.numpy as jnp
import numpy as np

N_NODES = 100000
IDENTITY_DIM = 64
INPUT_DIM = 128
B = 200000

def setup_inputs(seed: int = 0) -> dict:
    key = jax.random.key(seed)
    k1, k2, k3 = jax.random.split(key, 3)
    ids = jax.random.randint(k1, (B,), 0, N_NODES)
    feats = jax.random.normal(k2, (B, INPUT_DIM), dtype=jnp.float32)
    # embedding table: (n_nodes + 1, identity_dim), matching nn.Embedding init scale
    emb_W = jax.random.normal(k3, (N_NODES + 1, IDENTITY_DIM), dtype=jnp.float32)
    hop_idx = 1
    return {"ids": ids, "feats": feats, "hop_idx": hop_idx, "emb_W": emb_W}

def reference(ids, feats, hop_idx, emb_W):
    n_nodes = emb_W.shape[0] - 1
    gather_ids = jnp.where(hop_idx > 0, ids, jnp.full_like(ids, n_nodes))
    embs = jnp.take(emb_W, gather_ids, axis=0)
    # input_dim is nonzero -> concatenate features with identity embeddings
    return jnp.concatenate([feats, embs], axis=1)

if __name__ == "__main__":
    import jax
    _d = setup_inputs()
    print(jax.jit(kernel)(*tuple(_d.values())))

</pallas_src>

<mosaic_0001>
#map = affine_map<(d0, d1) -> (0)>
#map1 = affine_map<(d0, d1) -> (0, 0)>
module attributes {stable_mosaic.version = 14 : i64} {
  func.func @_gather_kernel(%arg0: i32, %arg1: i32, %arg2: memref<200000xi32, #tpu.memory_space<hbm>>, %arg3: memref<100001x128xf32, #tpu.memory_space<hbm>>, %arg4: memref<200000x128xf32, #tpu.memory_space<hbm>>, %arg5: memref<128xi32, #tpu.memory_space<vmem>>, %arg6: memref<128x128xf32, #tpu.memory_space<vmem>>, %arg7: memref<64xi32, #tpu.memory_space<vmem>>, %arg8: memref<64x128xf32, #tpu.memory_space<vmem>>, %arg9: memref<!tpu.dma_semaphore, #tpu.memory_space<semaphore_mem>>) attributes {dimension_semantics = [#tpu.dimension_semantics<core_parallel>, #tpu.dimension_semantics<subcore_parallel>], iteration_bounds = array<i64: 2, 16>, scalar_prefetch = 0 : i64, scratch_operands = 5 : i64, tpu.core_type = #tpu.core_type<sc_vector_subcore>, window_params = [{transform_indices = #map}, {transform_indices = #map1}, {transform_indices = #map1}]} {
    %mul3A = arith.constant 2 : i32
    %mul3A_0 = arith.muli %arg1, %mul3A : i32
    %add3A = arith.addi %mul3A_0, %arg0 : i32
    %scan3A = arith.constant 0 : i32
    %scan3A_1 = arith.constant 0 : i32
    %scan3A_2 = arith.constant 49 : i32
    %scan3A_3 = arith.addi %scan3A_1, %scan3A_2 : i32
    %scan3A_4 = arith.constant 1 : i32
    scf.for %scan3A_8 = %scan3A_1 to %scan3A_3 step %scan3A_4  : i32 {
      %mul3A_9 = arith.constant 49 : i32
      %mul3A_10 = arith.muli %add3A, %mul3A_9 : i32
      %add3A_11 = arith.addi %mul3A_10, %scan3A_8 : i32
      %lt3A = arith.constant 1562 : i32
      %lt3A_12 = arith.cmpi slt, %add3A_11, %lt3A : i32
      %convert_element_type3A_13 = arith.extui %lt3A_12 : i1 to i32
      %cond3A_14 = arith.constant 0 : i32
      %cond3A_15 = arith.cmpi ne, %convert_element_type3A_13, %cond3A_14 : i32
      scf.if %cond3A_15 {
        %mul3A_16 = arith.constant 128 : i32
        %mul3A_17 = arith.muli %add3A_11, %mul3A_16 : i32
        "tpu.region"() ({
          %run_scoped3A = tpu.sem_alloc : memref<!tpu.dma_semaphore, #tpu.memory_space<semaphore_mem>>
          %dma_start3A_22 = tpu.memref_slice %arg2[%mul3A_17] : memref<200000xi32, #tpu.memory_space<hbm>> -> memref<128xi32, #tpu.memory_space<hbm>>
          %dma_start3A_23 = tpu.memref_slice %arg2[%mul3A_17] : memref<200000xi32, #tpu.memory_space<hbm>> -> memref<128xi32, #tpu.memory_space<hbm>>
          tpu.enqueue_dma source(%dma_start3A_23 : memref<128xi32, #tpu.memory_space<hbm>>) target(%arg5 : memref<128xi32, #tpu.memory_space<vmem>>) target_semaphore(%run_scoped3A : memref<!tpu.dma_semaphore, #tpu.memory_space<semaphore_mem>>)
          %dma_wait3A_24 = tpu.memref_slice %arg2[%mul3A_17] : memref<200000xi32, #tpu.memory_space<hbm>> -> memref<128xi32, #tpu.memory_space<hbm>>
          %dma_wait3A_25 = tpu.memref_slice %arg2[%mul3A_17] : memref<200000xi32, #tpu.memory_space<hbm>> -> memref<128xi32, #tpu.memory_space<hbm>>
          tpu.wait_dma2 semaphore(%run_scoped3A : memref<!tpu.dma_semaphore, #tpu.memory_space<semaphore_mem>>) src(%dma_wait3A_25 : memref<128xi32, #tpu.memory_space<hbm>>) dst(%arg5 : memref<128xi32, #tpu.memory_space<vmem>>)
          tpu.yield
        }) : () -> ()
        %dma_start3A = arith.constant 0 : i32
        %dma_start3A_18 = arith.constant 0 : i32
        %dma_start3A_19 = tpu.memref_slice %arg3[%dma_start3A, %dma_start3A_18] : memref<100001x128xf32, #tpu.memory_space<hbm>> -> memref<100001x128xf32, #tpu.memory_space<hbm>>
        tpu.enqueue_indirect_dma source(%dma_start3A_19 : memref<100001x128xf32, #tpu.memory_space<hbm>>) target(%arg6 : memref<128x128xf32, #tpu.memory_space<vmem>>) offsets(%arg5 : memref<128xi32, #tpu.memory_space<vmem>>) semaphore(%arg9 : memref<!tpu.dma_semaphore, #tpu.memory_space<semaphore_mem>>)
        %dma_wait3A = arith.constant 0 : i32
        %dma_wait3A_20 = arith.constant 0 : i32
        %dma_wait3A_21 = tpu.memref_slice %arg3[%dma_wait3A, %dma_wait3A_20] : memref<100001x128xf32, #tpu.memory_space<hbm>> -> memref<100001x128xf32, #tpu.memory_space<hbm>>
        tpu.wait_indirect_dma semaphore(%arg9 : memref<!tpu.dma_semaphore, #tpu.memory_space<semaphore_mem>>) src(%dma_wait3A_21 : memref<100001x128xf32, #tpu.memory_space<hbm>>) dst(%arg6 : memref<128x128xf32, #tpu.memory_space<vmem>>)
        "tpu.region"() ({
          %run_scoped3A = tpu.sem_alloc : memref<!tpu.dma_semaphore, #tpu.memory_space<semaphore_mem>>
          %dma_start3A_22 = arith.constant 0 : i32
          %dma_start3A_23 = tpu.memref_slice %arg4[%mul3A_17, %dma_start3A_22] : memref<200000x128xf32, #tpu.memory_space<hbm>> -> memref<128x128xf32, #tpu.memory_space<hbm>>
          %dma_start3A_24 = arith.constant 0 : i32
          %dma_start3A_25 = tpu.memref_slice %arg4[%mul3A_17, %dma_start3A_24] : memref<200000x128xf32, #tpu.memory_space<hbm>> -> memref<128x128xf32, #tpu.memory_space<hbm>>
          tpu.enqueue_dma source(%arg6 : memref<128x128xf32, #tpu.memory_space<vmem>>) target(%dma_start3A_25 : memref<128x128xf32, #tpu.memory_space<hbm>>) target_semaphore(%run_scoped3A : memref<!tpu.dma_semaphore, #tpu.memory_space<semaphore_mem>>)
          %dma_wait3A_26 = arith.constant 0 : i32
          %dma_wait3A_27 = tpu.memref_slice %arg4[%mul3A_17, %dma_wait3A_26] : memref<200000x128xf32, #tpu.memory_space<hbm>> -> memref<128x128xf32, #tpu.memory_space<hbm>>
          %dma_wait3A_28 = arith.constant 0 : i32
          %dma_wait3A_29 = tpu.memref_slice %arg4[%mul3A_17, %dma_wait3A_28] : memref<200000x128xf32, #tpu.memory_space<hbm>> -> memref<128x128xf32, #tpu.memory_space<hbm>>
          tpu.wait_dma2 semaphore(%run_scoped3A : memref<!tpu.dma_semaphore, #tpu.memory_space<semaphore_mem>>) src(%arg6 : memref<128x128xf32, #tpu.memory_space<vmem>>) dst(%dma_wait3A_29 : memref<128x128xf32, #tpu.memory_space<hbm>>)
          tpu.yield
        }) : () -> ()
      } else {
      }
    }
    %scan3A_5 = arith.constant 49 : i32
    %eq3A = arith.constant 31 : i32
    %eq3A_6 = arith.cmpi eq, %add3A, %eq3A : i32
    %convert_element_type3A = arith.extui %eq3A_6 : i1 to i32
    %cond3A = arith.constant 0 : i32
    %cond3A_7 = arith.cmpi ne, %convert_element_type3A, %cond3A : i32
    scf.if %cond3A_7 {
      "tpu.region"() ({
        %run_scoped3A = tpu.sem_alloc : memref<!tpu.dma_semaphore, #tpu.memory_space<semaphore_mem>>
        %dma_start3A_12 = arith.constant 199936 : i32
        %dma_start3A_13 = tpu.memref_slice %arg2[%dma_start3A_12] : memref<200000xi32, #tpu.memory_space<hbm>> -> memref<64xi32, #tpu.memory_space<hbm>>
        %dma_start3A_14 = arith.constant 199936 : i32
        %dma_start3A_15 = tpu.memref_slice %arg2[%dma_start3A_14] : memref<200000xi32, #tpu.memory_space<hbm>> -> memref<64xi32, #tpu.memory_space<hbm>>
        tpu.enqueue_dma source(%dma_start3A_15 : memref<64xi32, #tpu.memory_space<hbm>>) target(%arg7 : memref<64xi32, #tpu.memory_space<vmem>>) target_semaphore(%run_scoped3A : memref<!tpu.dma_semaphore, #tpu.memory_space<semaphore_mem>>)
        %dma_wait3A_16 = arith.constant 199936 : i32
        %dma_wait3A_17 = tpu.memref_slice %arg2[%dma_wait3A_16] : memref<200000xi32, #tpu.memory_space<hbm>> -> memref<64xi32, #tpu.memory_space<hbm>>
        %dma_wait3A_18 = arith.constant 199936 : i32
        %dma_wait3A_19 = tpu.memref_slice %arg2[%dma_wait3A_18] : memref<200000xi32, #tpu.memory_space<hbm>> -> memref<64xi32, #tpu.memory_space<hbm>>
        tpu.wait_dma2 semaphore(%run_scoped3A : memref<!tpu.dma_semaphore, #tpu.memory_space<semaphore_mem>>) src(%dma_wait3A_19 : memref<64xi32, #tpu.memory_space<hbm>>) dst(%arg7 : memref<64xi32, #tpu.memory_space<vmem>>)
        tpu.yield
      }) : () -> ()
      %dma_start3A = arith.constant 0 : i32
      %dma_start3A_8 = arith.constant 0 : i32
      %dma_start3A_9 = tpu.memref_slice %arg3[%dma_start3A, %dma_start3A_8] : memref<100001x128xf32, #tpu.memory_space<hbm>> -> memref<100001x128xf32, #tpu.memory_space<hbm>>
      tpu.enqueue_indirect_dma source(%dma_start3A_9 : memref<100001x128xf32, #tpu.memory_space<hbm>>) target(%arg8 : memref<64x128xf32, #tpu.memory_space<vmem>>) offsets(%arg7 : memref<64xi32, #tpu.memory_space<vmem>>) semaphore(%arg9 : memref<!tpu.dma_semaphore, #tpu.memory_space<semaphore_mem>>)
      %dma_wait3A = arith.constant 0 : i32
      %dma_wait3A_10 = arith.constant 0 : i32
      %dma_wait3A_11 = tpu.memref_slice %arg3[%dma_wait3A, %dma_wait3A_10] : memref<100001x128xf32, #tpu.memory_space<hbm>> -> memref<100001x128xf32, #tpu.memory_space<hbm>>
      tpu.wait_indirect_dma semaphore(%arg9 : memref<!tpu.dma_semaphore, #tpu.memory_space<semaphore_mem>>) src(%dma_wait3A_11 : memref<100001x128xf32, #tpu.memory_space<hbm>>) dst(%arg8 : memref<64x128xf32, #tpu.memory_space<vmem>>)
      "tpu.region"() ({
        %run_scoped3A = tpu.sem_alloc : memref<!tpu.dma_semaphore, #tpu.memory_space<semaphore_mem>>
        %dma_start3A_12 = arith.constant 199936 : i32
        %dma_start3A_13 = arith.constant 0 : i32
        %dma_start3A_14 = tpu.memref_slice %arg4[%dma_start3A_12, %dma_start3A_13] : memref<200000x128xf32, #tpu.memory_space<hbm>> -> memref<64x128xf32, #tpu.memory_space<hbm>>
        %dma_start3A_15 = arith.constant 199936 : i32
        %dma_start3A_16 = arith.constant 0 : i32
        %dma_start3A_17 = tpu.memref_slice %arg4[%dma_start3A_15, %dma_start3A_16] : memref<200000x128xf32, #tpu.memory_space<hbm>> -> memref<64x128xf32, #tpu.memory_space<hbm>>
        tpu.enqueue_dma source(%arg8 : memref<64x128xf32, #tpu.memory_space<vmem>>) target(%dma_start3A_17 : memref<64x128xf32, #tpu.memory_space<hbm>>) target_semaphore(%run_scoped3A : memref<!tpu.dma_semaphore, #tpu.memory_space<semaphore_mem>>)
        %dma_wait3A_18 = arith.constant 199936 : i32
        %dma_wait3A_19 = arith.constant 0 : i32
        %dma_wait3A_20 = tpu.memref_slice %arg4[%dma_wait3A_18, %dma_wait3A_19] : memref<200000x128xf32, #tpu.memory_space<hbm>> -> memref<64x128xf32, #tpu.memory_space<hbm>>
        %dma_wait3A_21 = arith.constant 199936 : i32
        %dma_wait3A_22 = arith.constant 0 : i32
        %dma_wait3A_23 = tpu.memref_slice %arg4[%dma_wait3A_21, %dma_wait3A_22] : memref<200000x128xf32, #tpu.memory_space<hbm>> -> memref<64x128xf32, #tpu.memory_space<hbm>>
        tpu.wait_dma2 semaphore(%run_scoped3A : memref<!tpu.dma_semaphore, #tpu.memory_space<semaphore_mem>>) src(%arg8 : memref<64x128xf32, #tpu.memory_space<vmem>>) dst(%dma_wait3A_23 : memref<64x128xf32, #tpu.memory_space<hbm>>)
        tpu.yield
      }) : () -> ()
    } else {
    }
    return
  }
}

module attributes {stable_mosaic.version = 14 : i64} {
  func.func @_feats_kernel(%arg0: i32, %arg1: memref<2000x128xf32, #tpu.memory_space<vmem>>, %arg2: memref<2000x128xf32, #tpu.memory_space<vmem>>) attributes {dimension_semantics = [#tpu.dimension_semantics<arbitrary>], iteration_bounds = array<i64: 100>, scalar_prefetch = 0 : i64, scratch_operands = 0 : i64, tpu.core_type = #tpu.core_type<tc>, window_params = [{transform_indices = @transform_0, window_bounds = array<i64: 2000, 128>}, {transform_indices = @transform_1, window_bounds = array<i64: 2000, 128>}]} {
    %get3A = arith.constant 0 : index
    %get3A_0 = arith.constant 0 : index
    %get3A_1 = vector.load %arg1[%get3A, %get3A_0] : memref<2000x128xf32, #tpu.memory_space<vmem>>, vector<2000x128xf32>
    %swap3A = arith.constant 0 : index
    %swap3A_2 = arith.constant 0 : index
    %swap3A_3 = vector.load %arg2[%swap3A, %swap3A_2] : memref<2000x128xf32, #tpu.memory_space<vmem>>, vector<2000x128xf32>
    tpu.vector_store %arg2[%swap3A, %swap3A_2], %get3A_1 {strides = array<i32>} : memref<2000x128xf32, #tpu.memory_space<vmem>>, vector<2000x128xf32>,
    return
  }
  func.func @transform_0(%arg0: i32) -> (i32, i32) {
    %c0_i32 = arith.constant 0 : i32
    %c0_i32_0 = arith.constant 0 : i32
    return %arg0, %c0_i32 : i32, i32
  }
  func.func @transform_1(%arg0: i32) -> (i32, i32) {
    %c0_i32 = arith.constant 0 : i32
    %c0_i32_0 = arith.constant 0 : i32
    return %arg0, %c0_i32 : i32, i32
  }
}

module attributes {stable_mosaic.version = 14 : i64} {
  func.func @_emb_kernel(%arg0: i32, %arg1: memref<2000x128xf32, #tpu.memory_space<vmem>>, %arg2: memref<200000x192xf32, #tpu.memory_space<any>>, %arg3: memref<2000x128xf32, #tpu.memory_space<vmem>>) attributes {dimension_semantics = [#tpu.dimension_semantics<arbitrary>], iteration_bounds = array<i64: 100>, scalar_prefetch = 0 : i64, scratch_operands = 0 : i64, tpu.core_type = #tpu.core_type<tc>, window_params = [{transform_indices = @transform_0, window_bounds = array<i64: 2000, 128>}, {}, {transform_indices = @transform_2, window_bounds = array<i64: 2000, 128>}]} {
    %get3A = arith.constant 0 : index
    %get3A_0 = arith.constant 0 : index
    %get3A_1 = vector.load %arg1[%get3A, %get3A_0] : memref<2000x128xf32, #tpu.memory_space<vmem>>, vector<2000x64xf32>
    %swap3A = arith.constant 0 : index
    %swap3A_2 = arith.constant 0 : index
    %swap3A_3 = vector.load %arg3[%swap3A, %swap3A_2] : memref<2000x128xf32, #tpu.memory_space<vmem>>, vector<2000x64xf32>
    tpu.vector_store %arg3[%swap3A, %swap3A_2], %get3A_1 {strides = array<i32>} : memref<2000x128xf32, #tpu.memory_space<vmem>>, vector<2000x64xf32>,
    return
  }
  func.func @transform_0(%arg0: i32) -> (i32, i32) {
    %c0_i32 = arith.constant 0 : i32
    %c0_i32_0 = arith.constant 0 : i32
    return %arg0, %c0_i32 : i32, i32
  }
  func.func @transform_2(%arg0: i32) -> (i32, i32) {
    %c1_i32 = arith.constant 1 : i32
    %c0_i32 = arith.constant 0 : i32
    return %arg0, %c1_i32 : i32, i32
  }
}

</mosaic_0001>

<sc_bundles>
// kernel: _node_prep.5.cloned.1.call-start
scs
__scs_entry_jumppad:
0x0: {  	(pc) =	sbr.rel $0x88, $3  }
0x1: {  	(tag) =	ssettag $0x0;
	lr =	simm.s32 $0x1  }
0x2: {  	[smem:$0x3F9E] =	sst lr;
	_ =	strace $0xD0000000  }
0x3: {  	_ = 	snop  }
0x4: {  	_ = 	snop  }
0x5: {  	_ = 	snop  }
0x6: {  	_ = 	snop  }
0x7: {  	_ = 	snop  }
__scs_overlays_trampoline_lowered:
0x8: {  	[smem:$0x3FAD] =	sst s0  }
0x9: {  	[smem:$0x3FAE] =	sst s1  }
0xa: {  	[smem:$0x3FAF] =	sst s2  }
0xb: {  	[smem:$0x3FB0] =	sst s3  }
0xc: {  	[smem:$0x3FB1] =	sst s4  }
0xd: {  	[smem:$0x3FB2] =	sst s5  }
0xe: {  	[smem:$0x3FB3] =	sst s6  }
0xf: {  	[smem:$0x3FB4] =	sst s7  }
0x10: {  	[smem:$0x3FB5] =	sst s8  }
0x11: {  	[smem:$0x3FB6] =	sst s9;
	s0 =	simm.s32 @!p0 $0x0  }
0x12: {  	s1 =	sld [smem:$0x3F9C];
	s0 =	simm.s32 @p0 $0x1  }
0x13: {  	[smem:$0x3FB7] =	sst s0;
	s0 =	simm.s32 @!p1 $0x0  }
0x14: {  	s2 =	sld [smem:$0x3F9B];
	s0 =	simm.s32 @p1 $0x1  }
0x15: {  	[smem:$0x3FB8] =	sst s0;
	s0 =	simm.s32 @!p2 $0x0  }
0x16: {  	s3 =	sld [smem:$0x3FDB];
	s0 =	simm.s32 @p2 $0x1  }
0x17: {  	s4 =	simm.s32 $0x1BF5;
	[smem:$0x3FBA] =	sst s0  }
0x18: {  	s0 =	sld [smem:$0x3F9D];
	_ =	swait.ge [sflag:s4], $0x0  }
0x19: {  	s7 =	sld [smem:$0x3F9E]  }
0x1a: {  	s8 =	sadd.s32 $0xFFFFE003, lr  }
0x1b: {  	s9 =	sadd.s32 $0xFFFFFEF7, lr;
	s5 =	simm.s32 $0xFFFFFFFF;
	p2 =	slt.u32 s8, $0xFFFFF086  }
0x1c: {  	p1 =	slt.u32 s9, $0xF7A;
	s5 =	simm.s32 @!p2 $0x0  }
0x1d: {  	s5 =	simm.s32 @p1 $0x1;
	p0 =	seq.s32 s7, s2  }
0x1e: {  	s7 =	smul.u32 @!p0 $0xF7A, s2;
	p2 =	seq.s32 @!p0 s5, $0x0  }
0x1f: {  	s9 =	smul.u32 $0xF7A, s1;
	s8 =	simm.s32 @!p0 $0x1BF5;
	p2 =	por !p2, p0  }
0x20: {  	[sflag:s8] =	ssyncset.s32 @!p0 $0xFFFFF086;
	s6 =	sadd.s32 @!p0 s3, s7;
	s7 =	simm.s32 @!p0 $0x108  }
0x21: {  	s3 =	sadd.s32 s3, s9;
	s6 =	sadd.s32 @!p0 $0x88, s6;
	s7 =	simm.s32 @p2 $0x1082  }
0x22: {  	[simem:s7], [sflag:s8] =	dma.local @!p0 [hbm:s6], $0xF7A  }
0x23: {  	s9 =	sor.u32 $0xD0000000, s2;
	s6 =	simm.s32 $0x108;
	_ =	swait.ge @!p0 [sflag:s8], $0x0  }
0x24: {  	s3 =	sadd.s32 $0x88, s3;
	s6 =	simm.s32 @!p1 $0x1082;
	[sflag:s4] =	ssyncset.s32 $0xFFFFF086  }
0x25: {  	[simem:s6], [sflag:s4] =	dma.local [hbm:s3], $0xF7A  }
0x26: {  	[smem:$0x3F9E] =	sst s1;
	(tag) =	ssettag s2;
	_ =	strace s9  }
0x27: {  	s1 =	sld [smem:$0x3FAE]  }
0x28: {  	s2 =	sld [smem:$0x3FAF]  }
0x29: {  	s4 =	sld [smem:$0x3FB1]  }
0x2a: {  	p0 =	seq.s32 s5, $0x0;
	s5 =	sld [smem:$0x3FB2]  }
0x2b: {  	s6 =	sld [smem:$0x3FB3]  }
0x2c: {  	s7 =	sld [smem:$0x3FB4]  }
0x2d: {  	s3 =	simm.s32 $0x108;
	s8 =	sld [smem:$0x3FB5]  }
0x2e: {  	s3 =	simm.s32 @!p0 $0x1082;
	s9 =	sld [smem:$0x3FB6]  }
0x2f: {  	lr =	sadd.s32 s0, s3;
	s0 =	sld [smem:$0x3FAD]  }
0x30: {  	s3 =	sld [smem:$0x3FB0]  }
0x31: {  	[smem:$0x3FB9] =	sst s10  }
0x32: {  	s10 =	sld [smem:$0x3FB7];
	_ =	sdelay $0x3  }
0x33: {  	p0 =	seq.s32 s10, $0x1;
	s10 =	sld [smem:$0x3FB9];
	_ =	sdelay $0x3  }
0x34: {  	[smem:$0x3FB9] =	sst s10  }
0x35: {  	s10 =	sld [smem:$0x3FB8];
	_ =	sdelay $0x3  }
0x36: {  	p1 =	seq.s32 s10, $0x1;
	s10 =	sld [smem:$0x3FB9];
	_ =	sdelay $0x3  }
0x37: {  	[smem:$0x3FB9] =	sst s10  }
0x38: {  	s10 =	sld [smem:$0x3FBA]  }
0x39: {  	_ = 	snop;
	(pc) =	sbr.ind lr, $3  }
0x3a: {  	_ = 	snop  }
0x3b: {  	_ = 	snop  }
0x3c: {  	p2 =	seq.s32 s10, $0x1;
	s10 =	sld [smem:$0x3FB9]  }
0x3d: {  	_ =	shalt  }
0x3e: {  	_ =	shalt  }
0x3f: {  	_ =	shalt  }
0x40: {  	_ =	shalt  }
0x41: {  	_ =	shalt  }
0x42: {  	_ =	shalt  }
0x43: {  	_ =	shalt  }
0x44: {  	_ =	shalt  }
0x45: {  	_ =	shalt  }
0x46: {  	_ =	shalt  }
0x47: {  	_ =	shalt  }
0x48: {  	_ =	shalt  }
0x49: {  	_ =	shalt  }
0x4a: {  	_ =	shalt  }
0x4b: {  	_ =	shalt  }
0x4c: {  	_ =	shalt  }
0x4d: {  	_ =	shalt  }
0x4e: {  	_ =	shalt  }
0x4f: {  	_ =	shalt  }
0x50: {  	_ =	shalt  }
0x51: {  	_ =	shalt  }
0x52: {  	_ =	shalt  }
0x53: {  	_ =	shalt  }
0x54: {  	_ =	shalt  }
0x55: {  	_ =	shalt  }
0x56: {  	_ =	shalt  }
0x57: {  	_ =	shalt  }
0x58: {  	_ =	shalt  }
0x59: {  	_ =	shalt  }
0x5a: {  	_ =	shalt  }
0x5b: {  	_ =	shalt  }
0x5c: {  	_ =	shalt  }
0x5d: {  	_ =	shalt  }
0x5e: {  	_ =	shalt  }
0x5f: {  	_ =	shalt  }
0x60: {  	_ =	shalt  }
0x61: {  	_ =	shalt  }
0x62: {  	_ =	shalt  }
0x63: {  	_ =	shalt  }
0x64: {  	_ =	shalt  }
0x65: {  	_ =	shalt  }
0x66: {  	_ =	shalt  }
0x67: {  	_ =	shalt  }
0x68: {  	_ =	shalt  }
0x69: {  	_ =	shalt  }
0x6a: {  	_ =	shalt  }
0x6b: {  	_ =	shalt  }
0x6c: {  	_ =	shalt  }
0x6d: {  	_ =	shalt  }
0x6e: {  	_ =	shalt  }
0x6f: {  	_ =	shalt  }
0x70: {  	_ =	shalt  }
0x71: {  	_ =	shalt  }
0x72: {  	_ =	shalt  }
0x73: {  	_ =	shalt  }
0x74: {  	_ =	shalt  }
0x75: {  	_ =	shalt  }
0x76: {  	_ =	shalt  }
0x77: {  	_ =	shalt  }
0x78: {  	_ =	shalt  }
0x79: {  	_ =	shalt  }
0x7a: {  	_ =	shalt  }
0x7b: {  	_ =	shalt  }
0x7c: {  	_ =	shalt  }
0x7d: {  	_ =	shalt  }
0x7e: {  	_ =	shalt  }
0x7f: {  	_ =	shalt  }
0x80: {  	_ =	shalt  }
0x81: {  	_ =	shalt  }
0x82: {  	_ =	shalt  }
0x83: {  	_ =	shalt  }
0x84: {  	_ =	shalt  }
0x85: {  	_ =	shalt  }
0x86: {  	_ =	shalt  }
0x87: {  	_ =	shalt  }
.Lfunc_end0:
.L_simem_size_0:
called_computation_lowered:
.L_overlay_start_0:
0x88: {  	s2 =	sld [smem:$0x3FD9]  }
0x89: {  	s3 =	sld [smem:$0x3FFE];
	_ =	sdelay $0x1  }
0x8a: {  	s1 =	srdreg.scid  }
0x8b: {  	s0 =	sand.u32 $0x1, s1  }
0x8c: {  	s17 =	sshll.u32 s0, $0xA;
	s2 =	sadd.s32 s3, s2  }
0x8d: {  	s2 =	sadd.s32 s2, s17  }
0x8e: {  	[smem:$0x3FC5] =	sst s2  }
0x8f: {  	_ = 	snop  }
0x90: {  	s2 =	sld [smem:$0x3FC9]  }
0x91: {  	s18 =	sld [smem:$0x3FD0];
	(tm) =	ssettm $0x1  }
0x92: {  	s4 =	sld [smem:$0x3FFB];
	_ =	sdelay $0x3  }
0x93: {  	_ =	strace s4  }
0x94: {  	s4 =	sld [smem:$0x3FFC];
	_ =	sdelay $0x3  }
0x95: {  	_ =	strace s4  }
0x96: {  	s4 =	sld [smem:$0x3FFD];
	_ =	sdelay $0x3  }
0x97: {  	_ =	strace s4  }
0x98: {  	_ =	strace $0x8FFFFFFF  }
0x99: {  	s19 =	sld [smem:$0x3FDB];
	_ =	sdelay $0x1  }
0x9a: {  	s5 =	simm.s32 $_scs_section_size  }
0x9b: {  	s6 =	simm.s32 $_size__tile_overlayer_lowered;
	s7 =	simm.s32 $_tile_overlayer_lowered  }
0x9c: {  	s22 =	simm.s32 $0x1BFF;
	s21 =	sshll.u32 s7, $0x1;
	s4 =	sadd.s32 s5, s19  }
0x9d: {  	s8 =	simm.s32 $0x0;
	s20 =	sshll.u32 s6, $0x1;
	s6 =	sadd.s32 s21, s4  }
0x9e: {  	[timem:s8], [sflag:s22] =	dma.local [hbm:s6], s20  }
0x9f: {  	_ =	swait.ge [sflag:s22], s20  }
0xa0: {  	s5 =	ssub.s32 $0x0, s20;
	[sflag:s22] =	ssyncset.done $0x0  }
0xa1: {  	[sflag:s22] =	ssyncadd.s32 s5;
	_ =	sdelay $0x1  }
0xa2: {  	s23 =	simm.s32 $0x1B8B  }
0xa3: {  	_ =	swait.ge [sflag:s23], $0x1  }
0xa4: {  	[sflag:s23] =	ssyncset.done $0x0  }
0xa5: {  	s25 =	simm.s32 $0x1B8E;
	s24 =	sld [smem:$0x3FFE];
	[sflag:s23] =	ssyncadd.s32 $0xFFFFFFFF  }
0xa6: {  	s26 =	simm.s32 $execute0_lowered;
	[smem:$0x3FD2] =	sst s25  }
0xa7: {  	s6 =	sshll.u32 s26, $0x1;
	_ =	strace $0x80000046;
	[dreg:$0x1] =	wrdreg $0xFFFFFFFF  }
0xa8: {  	s28 =	simm.s32 $_size_execute0_lowered;
	s4 =	sadd.s32 s4, s6;
	[dreg:$0x0] =	wrdreg $0x0  }
0xa9: {  	s6 =	sshll.u32 s28, $0x1;
	[dreg:$0x2] =	wrdreg s4  }
0xaa: {  	[dreg:$0x3] =	wrdreg s6  }
0xab: {  	[dreg:$0x4] =	wrdreg $0xC0  }
0xac: {  	_ =	task [dreg:s8], $0x5FFFF  }
0xad: {  	[dreg:$0x1] =	wrdreg $0xFFFFFFFF  }
0xae: {  	[dreg:$0x0] =	wrdreg $0x60  }
0xaf: {  	[dreg:$0x2] =	wrdreg s2  }
0xb0: {  	[dreg:$0x3] =	wrdreg s24  }
0xb1: {  	[dreg:$0x4] =	wrdreg s18  }
0xb2: {  	[dreg:$0x5] =	wrdreg $0x9  }
0xb3: {  	_ =	task.clear_ibuf [dreg:s8], $0x6FFFF;
	_ =	strace $0x90000046  }
0xb4: {  	s29 =	simm.s32 $0x9;
	_ =	strace $0x80000048  }
0xb5: {  	_ =	swait.ge [sflag:s29], $0x1  }
0xb6: {  	[sflag:s29] =	ssyncadd.s32 $0xFFFFFFFF  }
0xb7: {  	_ =	strace $0x90000048  }
0xb8: {  	_ =	sfence  }
0xb9: {  	s30 =	sld [smem:$0x0];
	_ =	sdelay $0x2  }
0xba: {  	s31 =	sshll.u32 s1, $0xD;
	s1 =	sshrl.u32 s1, $0x2  }
0xbb: {  	s3 =	sand.u32 $0x4000, s31;
	s1 =	sadd.s32 s1, s30  }
0xbc: {  	s0 =	sor.u32 s3, s0;
	s1 =	sshll.u32 s1, $0x11  }
0xbd: {  	s0 =	sor.u32 s1, s0  }
0xbe: {  	s0 =	sadd.s32 $0x8F2B, s0  }
0xbf: {  	[sflag:s0] =	ssyncadd.remote.s32 $0x1  }
0xc0: {  	_ =	sfence.sel $0xFFFF  }
0xc1: {  	[dreg:$0x0] =	wrdreg $0xFFFFFFFF;
	(pc) =	sbr.abs _section_cstart, $3  }
0xc2: {  	[dreg:$0x1] =	wrdreg $0xFFFFFFFF  }
0xc3: {  	_ =	task.clear_ibuf [dreg:s8], $0x2FFFF;
	_ =	strace $0x9FFFFFFF  }
0xc4: {  	(tm) =	ssettm $0x7FFFFFFF  }
0xc5: {  	_ =	shalt  }
tec
execute0_lowered:
.L_overlay_start_1:
0x0: {  	(tag) =	ssettag $0x1  }
0x1: {  	s6 =	rddreg [dreg:$0x0]  }
0x2: {  	s5 =	rddreg [dreg:$0x1];
	s0 =	stileid.u32  }
0x3: {  	s1 =	srdreg.scid;
	s3 =	smul.u32 $0x620, s0  }
0x4: {  	s7 =	rddreg [dreg:$0x2];
	s2 =	simm.s32 $0x0;
	s11 =	smul.u32 $0x31000, s0  }
0x5: {  	s8 =	sand.u32 $0x1, s1;
	s1 =	rddreg [dreg:$0x3];
	s31 =	smul.u32 $0x62, s0  }
0x6: {  	[smem:$0x7FF] =	sst s2;
	s9 =	smul.u32 $0x310, s8  }
0x7: {  	s30 =	sshll.u32 s0, $0x1;
	s5 =	sadd.s32 $0x400, s5;
	s28 =	smul.u32 $0x18800, s8  }
0x8: {  	s4 =	ssub.s32 $0x2, s8;
	_ =	strace $0x80000047;
	s12 =	smul.u32 $0x31, s8  }
0x9: {  	s10 =	sshrl.u32 s4, $0x1;
	s3 =	sadd.s32 s3, s6;
	s29 =	sadd.s32 s11, s7  }
0xa: {  	s11 =	sor.u32 s8, s30;
	s6 =	sadd.s32 $0x61A0, s6;
	s7 =	sadd.s32 $0x30D000, s7  }
0xb: {  	s10 =	ssub.s32 s4, s10;
	s3 =	sadd.s32 s9, s3;
	s4 =	sadd.s32 s28, s29  }
0xc: {  	s9 =	sadd.s32 s12, s31;
	p0 =	sne.s32 s11, $0x1F;
	s8 =	smax.u32 s10, $0x1  }
.LBB2_1:
0xd: {  	s10 =	sadd.s32 $0x0, s9  }
0xe: {  	p1 =	sgt.u32 s10, $0x619  }
0xf: {  	s10 =	simm.s32 @!p1 $0x0;
	s11 =	simm.s32 @!p1 $0x3  }
0x10: {  	[tilespmem:s10], [sflag:$0x3] =	stream.linear.gather @!p1 [hbm4b:s3+s10], $0x80, $0x38;
	[tilespmem:$0x6100] =	vst v63  }
0x11: {  	_ =	swait.ge @!p1 [sflag:s11], $0x80  }
0x12: {  	[sflag:s11] =	ssyncset.done @!p1 $0x0;
	p1 =	por p1, p1  }
0x13: {  	[sflag:s11] =	ssyncadd.s32 @!p1 $0xFFFFFF80;
	s12 =	simm.s32 @!p1 $0x80;
	s13 =	simm.s32 @!p1 $0x1  }
0x14: {  	[tilespmem:s12], [sflag:$0x1] =	stream.indirect.gather @!p1 [hbm4b:s5+s12], $0x80, s10, s12, $0xb8;
	[tilespmem:$0x6100] =	vst v63  }
0x15: {  	_ =	swait.ge @!p1 [sflag:s13], $0x4000  }
0x16: {  	[sflag:s13] =	ssyncset.done @!p1 $0x0  }
0x17: {  	s31 =	sadd.s32 $0x1, s9;
	[sflag:s13] =	ssyncadd.s32 @!p1 $0xFFFFC000;
	s13 =	simm.s32 @!p1 $0x2  }
0x18: {  	[hbm4b:s4+s10] =	stream.linear.scatter @!p1 [tilespmem:s12], [sflag:$0x2], $0x4000, $0x38;
	[tilespmem:$0x6100] =	vst v63  }
0x19: {  	p2 =	sgt.u32 s31, $0x619;
	s11 =	simm.s32 $0x2;
	_ =	swait.ge @!p1 [sflag:s13], $0x4000  }
0x1a: {  	s10 =	sadd.s32 $0x800, s4;
	s12 =	sadd.s32 $0x10, s3;
	[sflag:s13] =	ssyncset.done @!p1 $0x0  }
.LBB2_2:
0x1b: {  	s14 =	simm.s32 @!p2 $0x0;
	s15 =	simm.s32 @!p2 $0x3;
	[sflag:s13] =	ssyncadd.s32 @!p1 $0xFFFFC000  }
0x1c: {  	[tilespmem:s14], [sflag:$0x3] =	stream.linear.gather @!p2 [hbm4b:s12+s14], $0x80, $0x38;
	[tilespmem:$0x6100] =	vst v63  }
0x1d: {  	s16 =	smov.u32 s11;
	s11 =	sadd.s32 $0x1, s11;
	_ =	swait.ge @!p2 [sflag:s15], $0x80  }
0x1e: {  	p1 =	por p2, p2;
	p3 =	sne.s32 s11, $0x31;
	[sflag:s15] =	ssyncset.done @!p2 $0x0  }
0x1f: {  	s13 =	simm.s32 @!p1 $0x1;
	[sflag:s15] =	ssyncadd.s32 @!p1 $0xFFFFFF80;
	s15 =	simm.s32 @!p1 $0x80  }
0x20: {  	[tilespmem:s15], [sflag:$0x1] =	stream.indirect.gather @!p1 [hbm4b:s5+s15], $0x80, s14, s15, $0xb8;
	[tilespmem:$0x6100] =	vst v63  }
0x21: {  	_ =	swait.ge @!p1 [sflag:s13], $0x4000  }
.Ltmp0:
0x22: {  	[sflag:s13] =	ssyncset.done @!p1 $0x0;
	(pc) =	sbr.rel @p3 .LBB2_2-.Ltmp0, $4  }
0x23: {  	[sflag:s13] =	ssyncadd.s32 @!p1 $0xFFFFC000;
	s13 =	simm.s32 @!p1 $0x2  }
0x24: {  	[hbm4b:s10+s14] =	stream.linear.scatter @!p1 [tilespmem:s15], [sflag:$0x2], $0x4000, $0x38;
	[tilespmem:$0x6100] =	vst v63  }
0x25: {  	s14 =	sadd.s32 s16, s9;
	s10 =	sadd.s32 $0x800, s10;
	_ =	swait.ge @!p1 [sflag:s13], $0x4000  }
0x26: {  	s12 =	sadd.s32 $0x10, s12;
	p2 =	sgt.u32 s14, $0x619;
	[sflag:s13] =	ssyncset.done @!p1 $0x0  }
0x27: {  	s11 =	simm.s32 @!p2 $0x0;
	s14 =	simm.s32 @!p2 $0x3;
	[sflag:s13] =	ssyncadd.s32 @!p1 $0xFFFFC000  }
0x28: {  	[tilespmem:s11], [sflag:$0x3] =	stream.linear.gather @!p2 [hbm4b:s12+s11], $0x80, $0x38;
	[tilespmem:$0x6100] =	vst v63  }
0x29: {  	_ =	swait.ge @!p2 [sflag:s14], $0x80  }
0x2a: {  	p1 =	por p2, p2;
	[sflag:s14] =	ssyncset.done @!p2 $0x0  }
0x2b: {  	s12 =	simm.s32 @!p1 $0x80;
	s13 =	simm.s32 @!p1 $0x1;
	[sflag:s14] =	ssyncadd.s32 @!p1 $0xFFFFFF80  }
0x2c: {  	[tilespmem:s12], [sflag:$0x1] =	stream.indirect.gather @!p1 [hbm4b:s5+s12], $0x80, s11, s12, $0xb8;
	[tilespmem:$0x6100] =	vst v63  }
0x2d: {  	_ =	swait.ge @!p1 [sflag:s13], $0x4000  }
0x2e: {  	[sflag:s13] =	ssyncset.done @!p1 $0x0  }
0x2f: {  	[sflag:s13] =	ssyncadd.s32 @!p1 $0xFFFFC000;
	s13 =	simm.s32 @!p1 $0x2  }
0x30: {  	[hbm4b:s10+s11] =	stream.linear.scatter @!p1 [tilespmem:s12], [sflag:$0x2], $0x4000, $0x38;
	[tilespmem:$0x6100] =	vst v63  }
0x31: {  	_ =	swait.ge @!p1 [sflag:s13], $0x4000  }
0x32: {  	s10 =	simm.s32 @!p0 $0x0;
	[sflag:s13] =	ssyncset.done @!p1 $0x0  }
0x33: {  	s11 =	simm.s32 @!p0 $0x4080;
	s12 =	simm.s32 @!p0 $0x2;
	[sflag:s13] =	ssyncadd.s32 @!p1 $0xFFFFC000  }
0x34: {  	[tilespmem:s11], [sflag:$0x2] =	stream.linear.gather @!p0 [hbm4b:s6+s10], $0x40, $0x38;
	[tilespmem:$0x6100] =	vst v63  }
0x35: {  	_ =	swait.ge @!p0 [sflag:s12], $0x40  }
0x36: {  	[sflag:s12] =	ssyncset.done @!p0 $0x0  }
0x37: {  	s14 =	simm.s32 @!p0 $0x4100;
	s13 =	simm.s32 @!p0 $0x40;
	[sflag:s12] =	ssyncadd.s32 @!p0 $0xFFFFFFC0  }
0x38: {  	[tilespmem:s14], [sflag:$0x1] =	stream.indirect.gather @!p0 [hbm4b:s5+s13], $0x80, s11, s13, $0xb8;
	[tilespmem:$0x6100] =	vst v63  }
0x39: {  	s11 =	simm.s32 @!p0 $0x1  }
0x3a: {  	s2 =	sadd.s32 $0x1, s2;
	_ =	swait.ge @!p0 [sflag:s11], $0x2000  }
0x3b: {  	p1 =	sne.s32 s2, s8;
	[sflag:s11] =	ssyncset.done @!p0 $0x0  }
.Ltmp1:
0x3c: {  	[sflag:s11] =	ssyncadd.s32 @!p0 $0xFFFFE000;
	(pc) =	sbr.rel @p1 .LBB2_1-.Ltmp1, $4  }
0x3d: {  	[hbm4b:s7+s10] =	stream.linear.scatter @!p0 [tilespmem:s14], [sflag:$0x2], $0x2000, $0x38;
	[tilespmem:$0x6100] =	vst v63  }
0x3e: {  	_ =	swait.ge @!p0 [sflag:s12], $0x2000  }
0x3f: {  	[sflag:s12] =	ssyncset.done @!p0 $0x0  }
0x40: {  	[sflag:s12] =	ssyncadd.s32 @!p0 $0xFFFFE000  }
0x41: {  	_ =	sfence.sel $0x180000  }
0x42: {  	[bflag:$0x0] =	sbarrier.arrive $0xFFFF  }
0x43: {  	p0 =	sne.s32 s0, $0x0;
	_ =	strace $0x90000047  }
0x44: {  	s0 =	sadd.s32 @!p0 $0x100000, s1;
	[bflag:$0x2] =	sbarrier.arrive $0xFFFF  }
0x45: {  	[sflag:s0] =	ssyncadd.tile.s32 @!p0 $0x1;
	_ =	shalt  }
.Lfunc_end2:
_tile_overlayer_lowered:
.L_overlay_start_2:
0x46: {  	(tag) =	ssettag $0x2  }
0x47: {  	s0 =	rddreg [dreg:$0x0];
	s2 =	stileid.u32  }
0x48: {  	s1 =	rddreg [dreg:$0x1];
	p0 =	sne.s32 s2, $0x0  }
0x49: {  	s3 =	rddreg [dreg:$0x2];
	[bflag:$0x3] =	sbarrier.arrive $0xFFFF;
	s2 =	simm.s32 @!p0 $0x1C02  }
0x4a: {  	[timem:s3], [sflag:s2] =	dma.local @!p0 [hbm:s0], s1  }
0x4b: {  	s0 =	simm.s32 @!p0 $0x2  }
0x4c: {  	_ =	swait.ge @!p0 [sflag:s0], s1  }
0x4d: {  	s1 =	ssub.s32 @!p0 $0x0, s1;
	[sflag:s0] =	ssyncset.done @!p0 $0x0  }
0x4e: {  	[sflag:s0] =	ssyncadd.s32 @!p0 s1  }
0x4f: {  	[bflag:$0x3] =	sbarrier.arrive $0xFFFF  }
0x50: {  	_ =	shalt  }

</sc_bundles>
